<compile_context>
chip_gen: v7x
topology: tpu7x:2x2x1
jax: 0.10.2.dev20260603
libtpu: 0.0.44.dev20260713+nightly
codegen_flags: <defaults>
</compile_context>

<pallas_src>
import functools

import numpy as np

import jax
import jax.numpy as jnp
from jax import lax
from jax.experimental import pallas as pl
from jax.experimental.pallas import tpu as pltpu
from jax.experimental.pallas import tpu_sc as plsc

B, S, H, E, K = 4, 2048, 1024, 8, 2
CAP = (S * K) // E
CHT = 256
NW = (B * S) // CHT
NCB = S // CHT

def _router_body(hs_ref, wt_ref, probs_ref, ohb_ref, wb_ref, offs_ref,
                 aux_ref, z_ref):
    hs = hs_ref[0]
    wt = wt_ref[...]
    logits = jnp.dot(hs, wt, preferred_element_type=jnp.float32)

    m = jnp.max(logits, axis=-1, keepdims=True)
    el = jnp.exp(logits - m)
    sel = jnp.sum(el, axis=-1, keepdims=True)
    probs = el / sel
    probs_ref[0] = probs

    lse = m + jnp.log(sel)
    z_ref[...] = jnp.sum(lse * lse).reshape(1, 1, 1)
    aux_ref[...] = jnp.sum(probs * probs).reshape(1, 1, 1)

    eidx = jax.lax.broadcasted_iota(jnp.int32, (S, E), 1)
    m1 = jnp.max(probs, axis=-1, keepdims=True)
    i1 = jnp.min(jnp.where(probs == m1, eidx, E), axis=-1, keepdims=True)
    p2 = jnp.where(eidx == i1, -1.0, probs)
    m2 = jnp.max(p2, axis=-1, keepdims=True)
    i2 = jnp.min(jnp.where(p2 == m2, eidx, E), axis=-1, keepdims=True)

    wsum = m1 + m2
    w1 = m1 / wsum
    w2 = m2 / wsum

    oh1 = eidx == i1
    oh2 = eidx == i2

    ohf2 = jnp.concatenate(
        [oh1.astype(jnp.float32), oh2.astype(jnp.float32)], axis=1)
    ohb_ref[0] = ohf2
    wb_ref[0] = jnp.concatenate(
        [jnp.where(oh1, w1, 0.0), jnp.where(oh2, w2, 0.0)], axis=1)

    cs = [jnp.sum(ohf2[j * CHT:(j + 1) * CHT], axis=0, keepdims=True)
          for j in range(NCB)]
    run = jnp.zeros((1, 2 * E), jnp.float32)
    rows = []
    for j in range(NCB):
        rows.append(run)
        run = run + cs[j]
    offs = jnp.concatenate(rows, axis=0)
    offs = jnp.concatenate(
        [offs[:, :E], offs[:, E:] + run[:, :E]], axis=1)
    offs_ref[0] = offs


_sc_mesh = plsc.VectorSubcoreMesh(core_axis_name="c", subcore_axis_name="s")


@functools.partial(
    pl.kernel,
    mesh=_sc_mesh,
    out_type=[
        jax.ShapeDtypeStruct((B * S * E // 16, 16), jnp.float32),
        jax.ShapeDtypeStruct((B * S * E // 16, 16), jnp.float32),
    ],
    scratch_types=[
        pltpu.VMEM((CHT, 16), jnp.float32),
        pltpu.VMEM((CHT, 16), jnp.float32),
        pltpu.VMEM((CHT // 2, 16), jnp.float32),
        pltpu.VMEM((CHT // 2, 16), jnp.float32),
        pltpu.VMEM((1, 16), jnp.float32),
    ],
)
def _sc_dispatch(ohb_hbm, wb_hbm, offs_hbm, disp_hbm, comb_hbm,
                 ohb_v, wb_v, disp_v, comb_v, off_v):
    wid = lax.axis_index("s") * 2 + lax.axis_index("c")
    base = wid * CHT
    pltpu.sync_copy(ohb_hbm.at[pl.ds(base, CHT)], ohb_v)
    pltpu.sync_copy(wb_hbm.at[pl.ds(base, CHT)], wb_v)
    pltpu.sync_copy(offs_hbm.at[pl.ds(wid, 1)], off_v)

    lane = lax.iota(jnp.int32, 16)
    lane_e = lax.rem(lane, 8)
    idx_hi = jnp.where(lane < 8, lane + 8, lane)
    lo = lane < 8
    off = off_v[0]
    capf = jnp.float32(CAP)

    gd = lax.GatherDimensionNumbers(
        offset_dims=(), collapsed_slice_dims=(0,), start_index_map=(0,))

    def take16(x, idx):
        return lax.gather(x, idx[:, None], gd, slice_sizes=(1,),
                          mode=lax.GatherScatterMode.PROMISE_IN_BOUNDS)

    def fold(x):
        return x + take16(x, idx_hi)

    def pair_body(t, carry):
        v0 = ohb_v[2 * t]
        v1 = ohb_v[2 * t + 1]
        a0 = jnp.where(carry + off < capf, v0, 0.0)
        carry = carry + v0
        a1 = jnp.where(carry + off < capf, v1, 0.0)
        carry = carry + v1
        c0 = a0 * wb_v[2 * t]
        c1 = a1 * wb_v[2 * t + 1]
        d0 = fold(a0)
        d1 = take16(fold(a1), lane_e)
        disp_v[t] = jnp.where(lo, d0, d1)
        e0 = fold(c0)
        e1 = take16(fold(c1), lane_e)
        comb_v[t] = jnp.where(lo, e0, e1)
        return carry

    lax.fori_loop(0, CHT // 2, pair_body, lane.astype(jnp.float32) * 0.0)

    obase = wid * (CHT // 2)
    pltpu.sync_copy(disp_v, disp_hbm.at[pl.ds(obase, CHT // 2)])
    pltpu.sync_copy(comb_v, comb_hbm.at[pl.ds(obase, CHT // 2)])


@jax.jit
def kernel(hidden_states, W):
    wt = W.T
    probs, ohb, wb, offs, aux, z = pl.pallas_call(
        _router_body,
        grid=(B,),
        in_specs=[
            pl.BlockSpec((1, S, H), lambda b: (b, 0, 0)),
            pl.BlockSpec((H, E), lambda b: (0, 0)),
        ],
        out_specs=[
            pl.BlockSpec((1, S, E), lambda b: (b, 0, 0)),
            pl.BlockSpec((1, S, 2 * E), lambda b: (b, 0, 0)),
            pl.BlockSpec((1, S, 2 * E), lambda b: (b, 0, 0)),
            pl.BlockSpec((1, NCB, 2 * E), lambda b: (b, 0, 0)),
            pl.BlockSpec((1, 1, 1), lambda b: (b, 0, 0)),
            pl.BlockSpec((1, 1, 1), lambda b: (b, 0, 0)),
        ],
        out_shape=[
            jax.ShapeDtypeStruct((B, S, E), jnp.float32),
            jax.ShapeDtypeStruct((B, S, 2 * E), jnp.float32),
            jax.ShapeDtypeStruct((B, S, 2 * E), jnp.float32),
            jax.ShapeDtypeStruct((B, NCB, 2 * E), jnp.float32),
            jax.ShapeDtypeStruct((B, 1, 1), jnp.float32),
            jax.ShapeDtypeStruct((B, 1, 1), jnp.float32),
        ],
    )(hidden_states, wt)

    d16, c16 = _sc_dispatch(
        ohb.reshape(B * S, 2 * E),
        wb.reshape(B * S, 2 * E),
        offs.reshape(B * NCB, 2 * E),
    )
    disp = d16.reshape(B, S, E)
    comb = c16.reshape(B, S, E)
    aux_loss = (jnp.sum(aux) / (B * S)) * E
    z_loss = jnp.sum(z) / (B * S)
    return (disp, comb, probs, aux_loss.reshape(()), z_loss.reshape(()))

# --- scband reference (transcript-rebuilt; emitter-appended) ---
"""Pipeline reference for scband-router-69432441307499 (READ-ONLY COPY).

The authoritative reference and input builder live on the scoring server;
editing this copy changes nothing except your own understanding.
"""

import jax, jax.numpy as jnp
import numpy as np

B, S, H, E, K = 4, 2048, 1024, 8, 2
MAX_SEQ = 2048
CAP = int(1.0 * (MAX_SEQ * K) / E)  # expert_capacity = 512


def setup_inputs(seed: int = 0) -> dict:
    key = jax.random.key(seed)
    k1, k2 = jax.random.split(key)
    hidden_states = jax.random.normal(k1, (B, S, H), dtype=jnp.float32)
    W = jax.random.normal(k2, (E, H), dtype=jnp.float32) * (1.0 / np.sqrt(H))
    return {"hidden_states": hidden_states, "W": W}


def reference(hidden_states, W):
    # router logits: nn.Linear(hidden_size, num_experts, bias=False)
    router_logits = hidden_states @ W.T  # [B, S, E]
    router_probs = jax.nn.softmax(router_logits, axis=-1)
    expert_weights, expert_indices = jax.lax.top_k(router_probs, K)  # [B, S, K]
    expert_weights = expert_weights / jnp.sum(expert_weights, axis=-1, keepdims=True)
    aux_loss = jnp.mean(jnp.sum(router_probs * router_probs, axis=-1)) * E

    # Capacity-constrained dispatch. Original code iterates slot i (outer),
    # then batch, then seq position, incrementing position_in_expert only on
    # accepted tokens. A token in slot i at seq position t routed to expert e
    # is accepted iff (total tokens routed to e in all earlier slots) +
    # (tokens routed to e earlier in seq within slot i) < capacity.
    onehot = jax.nn.one_hot(expert_indices, E, dtype=router_probs.dtype)  # [B, S, K, E]
    counts_per_slot = jnp.sum(onehot, axis=1)  # [B, K, E] total per slot
    offsets = jnp.cumsum(counts_per_slot, axis=1) - counts_per_slot  # prior slots' totals
    within = jnp.cumsum(onehot, axis=1) - onehot  # prior count within slot along seq
    rank = within + offsets[:, None, :, :]  # [B, S, K, E]
    accept = (onehot > 0) & (rank < CAP)
    acc_f = accept.astype(router_probs.dtype)
    dispatch_tensor = jnp.sum(acc_f, axis=2)  # [B, S, E], 1.0 where dispatched
    combine_tensor = jnp.sum(acc_f * expert_weights[..., None], axis=2)  # [B, S, E]

    z_loss = jnp.mean(jax.nn.logsumexp(router_logits, axis=-1) ** 2)
    return (dispatch_tensor, combine_tensor, router_probs, aux_loss, z_loss)

if __name__ == "__main__":
    import jax
    _d = setup_inputs()
    print(jax.jit(kernel)(*tuple(_d.values())))

</pallas_src>

<mosaic_0001>
#map = affine_map<(d0, d1) -> (0, 0)>
module attributes {stable_mosaic.version = 14 : i64} {
  func.func @_sc_dispatch(%arg0: i32, %arg1: i32, %arg2: memref<8192x16xf32, #tpu.memory_space<hbm>>, %arg3: memref<8192x16xf32, #tpu.memory_space<hbm>>, %arg4: memref<32x16xf32, #tpu.memory_space<hbm>>, %arg5: memref<4096x16xf32, #tpu.memory_space<hbm>>, %arg6: memref<4096x16xf32, #tpu.memory_space<hbm>>, %arg7: memref<256x16xf32, #tpu.memory_space<vmem>>, %arg8: memref<256x16xf32, #tpu.memory_space<vmem>>, %arg9: memref<128x16xf32, #tpu.memory_space<vmem>>, %arg10: memref<128x16xf32, #tpu.memory_space<vmem>>, %arg11: memref<1x16xf32, #tpu.memory_space<vmem>>) attributes {dimension_semantics = [#tpu.dimension_semantics<core_parallel>, #tpu.dimension_semantics<subcore_parallel>], iteration_bounds = array<i64: 2, 16>, scalar_prefetch = 0 : i64, scratch_operands = 5 : i64, tpu.core_type = #tpu.core_type<sc_vector_subcore>, window_params = [{transform_indices = #map}, {transform_indices = #map}, {transform_indices = #map}, {transform_indices = #map}, {transform_indices = #map}]} {
    %mul3A = arith.constant 2 : i32
    %mul3A_0 = arith.muli %arg1, %mul3A : i32
    %add3A = arith.addi %mul3A_0, %arg0 : i32
    %mul3A_1 = arith.constant 256 : i32
    %mul3A_2 = arith.muli %add3A, %mul3A_1 : i32
    "tpu.region"() ({
      %run_scoped3A = tpu.sem_alloc : memref<!tpu.dma_semaphore, #tpu.memory_space<semaphore_mem>>
      %dma_start3A = arith.constant 0 : i32
      %dma_start3A_28 = tpu.memref_slice %arg2[%mul3A_2, %dma_start3A] : memref<8192x16xf32, #tpu.memory_space<hbm>> -> memref<256x16xf32, #tpu.memory_space<hbm>>
      %dma_start3A_29 = arith.constant 0 : i32
      %dma_start3A_30 = tpu.memref_slice %arg2[%mul3A_2, %dma_start3A_29] : memref<8192x16xf32, #tpu.memory_space<hbm>> -> memref<256x16xf32, #tpu.memory_space<hbm>>
      tpu.enqueue_dma source(%dma_start3A_30 : memref<256x16xf32, #tpu.memory_space<hbm>>) target(%arg7 : memref<256x16xf32, #tpu.memory_space<vmem>>) target_semaphore(%run_scoped3A : memref<!tpu.dma_semaphore, #tpu.memory_space<semaphore_mem>>)
      %dma_wait3A = arith.constant 0 : i32
      %dma_wait3A_31 = tpu.memref_slice %arg2[%mul3A_2, %dma_wait3A] : memref<8192x16xf32, #tpu.memory_space<hbm>> -> memref<256x16xf32, #tpu.memory_space<hbm>>
      %dma_wait3A_32 = arith.constant 0 : i32
      %dma_wait3A_33 = tpu.memref_slice %arg2[%mul3A_2, %dma_wait3A_32] : memref<8192x16xf32, #tpu.memory_space<hbm>> -> memref<256x16xf32, #tpu.memory_space<hbm>>
      tpu.wait_dma2 semaphore(%run_scoped3A : memref<!tpu.dma_semaphore, #tpu.memory_space<semaphore_mem>>) src(%dma_wait3A_33 : memref<256x16xf32, #tpu.memory_space<hbm>>) dst(%arg7 : memref<256x16xf32, #tpu.memory_space<vmem>>)
      tpu.yield
    }) : () -> ()
    "tpu.region"() ({
      %run_scoped3A = tpu.sem_alloc : memref<!tpu.dma_semaphore, #tpu.memory_space<semaphore_mem>>
      %dma_start3A = arith.constant 0 : i32
      %dma_start3A_28 = tpu.memref_slice %arg3[%mul3A_2, %dma_start3A] : memref<8192x16xf32, #tpu.memory_space<hbm>> -> memref<256x16xf32, #tpu.memory_space<hbm>>
      %dma_start3A_29 = arith.constant 0 : i32
      %dma_start3A_30 = tpu.memref_slice %arg3[%mul3A_2, %dma_start3A_29] : memref<8192x16xf32, #tpu.memory_space<hbm>> -> memref<256x16xf32, #tpu.memory_space<hbm>>
      tpu.enqueue_dma source(%dma_start3A_30 : memref<256x16xf32, #tpu.memory_space<hbm>>) target(%arg8 : memref<256x16xf32, #tpu.memory_space<vmem>>) target_semaphore(%run_scoped3A : memref<!tpu.dma_semaphore, #tpu.memory_space<semaphore_mem>>)
      %dma_wait3A = arith.constant 0 : i32
      %dma_wait3A_31 = tpu.memref_slice %arg3[%mul3A_2, %dma_wait3A] : memref<8192x16xf32, #tpu.memory_space<hbm>> -> memref<256x16xf32, #tpu.memory_space<hbm>>
      %dma_wait3A_32 = arith.constant 0 : i32
      %dma_wait3A_33 = tpu.memref_slice %arg3[%mul3A_2, %dma_wait3A_32] : memref<8192x16xf32, #tpu.memory_space<hbm>> -> memref<256x16xf32, #tpu.memory_space<hbm>>
      tpu.wait_dma2 semaphore(%run_scoped3A : memref<!tpu.dma_semaphore, #tpu.memory_space<semaphore_mem>>) src(%dma_wait3A_33 : memref<256x16xf32, #tpu.memory_space<hbm>>) dst(%arg8 : memref<256x16xf32, #tpu.memory_space<vmem>>)
      tpu.yield
    }) : () -> ()
    "tpu.region"() ({
      %run_scoped3A = tpu.sem_alloc : memref<!tpu.dma_semaphore, #tpu.memory_space<semaphore_mem>>
      %dma_start3A = arith.constant 0 : i32
      %dma_start3A_28 = tpu.memref_slice %arg4[%add3A, %dma_start3A] : memref<32x16xf32, #tpu.memory_space<hbm>> -> memref<1x16xf32, #tpu.memory_space<hbm>>
      %dma_start3A_29 = arith.constant 0 : i32
      %dma_start3A_30 = tpu.memref_slice %arg4[%add3A, %dma_start3A_29] : memref<32x16xf32, #tpu.memory_space<hbm>> -> memref<1x16xf32, #tpu.memory_space<hbm>>
      tpu.enqueue_dma source(%dma_start3A_30 : memref<1x16xf32, #tpu.memory_space<hbm>>) target(%arg11 : memref<1x16xf32, #tpu.memory_space<vmem>>) target_semaphore(%run_scoped3A : memref<!tpu.dma_semaphore, #tpu.memory_space<semaphore_mem>>)
      %dma_wait3A = arith.constant 0 : i32
      %dma_wait3A_31 = tpu.memref_slice %arg4[%add3A, %dma_wait3A] : memref<32x16xf32, #tpu.memory_space<hbm>> -> memref<1x16xf32, #tpu.memory_space<hbm>>
      %dma_wait3A_32 = arith.constant 0 : i32
      %dma_wait3A_33 = tpu.memref_slice %arg4[%add3A, %dma_wait3A_32] : memref<32x16xf32, #tpu.memory_space<hbm>> -> memref<1x16xf32, #tpu.memory_space<hbm>>
      tpu.wait_dma2 semaphore(%run_scoped3A : memref<!tpu.dma_semaphore, #tpu.memory_space<semaphore_mem>>) src(%dma_wait3A_33 : memref<1x16xf32, #tpu.memory_space<hbm>>) dst(%arg11 : memref<1x16xf32, #tpu.memory_space<vmem>>)
      tpu.yield
    }) : () -> ()
    %iota3A = tpu.iota {dimensions = array<i32: 0>} : vector<16xi32>
    %rem3A = arith.constant 8 : i32
    %rem3A_3 = vector.broadcast %rem3A : i32 to vector<16xi32>
    %rem3A_4 = arith.remsi %iota3A, %rem3A_3 : vector<16xi32>
    %lt3A = arith.constant 8 : i32
    %lt3A_5 = vector.broadcast %lt3A : i32 to vector<16xi32>
    %lt3A_6 = arith.cmpi slt, %iota3A, %lt3A_5 : vector<16xi32>
    %add3A_7 = arith.constant 8 : i32
    %add3A_8 = vector.broadcast %add3A_7 : i32 to vector<16xi32>
    %add3A_9 = arith.addi %iota3A, %add3A_8 : vector<16xi32>
    %select_n3A = arith.select %lt3A_6, %add3A_9, %iota3A : vector<16xi1>, vector<16xi32>
    %lt3A_10 = arith.constant 8 : i32
    %lt3A_11 = vector.broadcast %lt3A_10 : i32 to vector<16xi32>
    %lt3A_12 = arith.cmpi slt, %iota3A, %lt3A_11 : vector<16xi32>
    %get3A = arith.constant 0 : i32
    %get3A_13 = arith.index_cast %get3A : i32 to index
    %get3A_14 = arith.constant 0 : index
    %get3A_15 = tpu.vector_load %arg11[%get3A_13, %get3A_14] {strides = array<i32>} : memref<1x16xf32, #tpu.memory_space<vmem>>, vector<1x16xf32>,
    %get3A_16 = vector.shape_cast %get3A_15 : vector<1x16xf32> to vector<16xf32>
    %convert_element_type3A = arith.sitofp %iota3A : vector<16xi32> to vector<16xf32>
    %mul3A_17 = arith.constant 0.000000e+00 : f32
    %mul3A_18 = vector.broadcast %mul3A_17 : f32 to vector<16xf32>
    %mul3A_19 = arith.mulf %convert_element_type3A, %mul3A_18 : vector<16xf32>
    %scan3A = arith.constant 5.120000e+02 : f32
    %scan3A_20 = arith.constant 0 : i32
    %scan3A_21 = arith.constant 128 : i32
    %scan3A_22 = arith.addi %scan3A_20, %scan3A_21 : i32
    %scan3A_23 = arith.constant 1 : i32
    %scan3A_24 = scf.for %scan3A_28 = %scan3A_20 to %scan3A_22 step %scan3A_23 iter_args(%scan3A_29 = %mul3A_19) -> (vector<16xf32>)  : i32 {
      %mul3A_30 = arith.constant 2 : i32
      %mul3A_31 = arith.muli %mul3A_30, %scan3A_28 : i32
      %get3A_32 = arith.index_cast %mul3A_31 : i32 to index
      %get3A_33 = arith.constant 0 : index
      %get3A_34 = tpu.vector_load %arg7[%get3A_32, %get3A_33] {strides = array<i32>} : memref<256x16xf32, #tpu.memory_space<vmem>>, vector<1x16xf32>,
      %get3A_35 = vector.shape_cast %get3A_34 : vector<1x16xf32> to vector<16xf32>
      %mul3A_36 = arith.constant 2 : i32
      %mul3A_37 = arith.muli %mul3A_36, %scan3A_28 : i32
      %add3A_38 = arith.constant 1 : i32
      %add3A_39 = arith.addi %mul3A_37, %add3A_38 : i32
      %get3A_40 = arith.index_cast %add3A_39 : i32 to index
      %get3A_41 = arith.constant 0 : index
      %get3A_42 = tpu.vector_load %arg7[%get3A_40, %get3A_41] {strides = array<i32>} : memref<256x16xf32, #tpu.memory_space<vmem>>, vector<1x16xf32>,
      %get3A_43 = vector.shape_cast %get3A_42 : vector<1x16xf32> to vector<16xf32>
      %add3A_44 = arith.addf %scan3A_29, %get3A_16 : vector<16xf32>
      %lt3A_45 = vector.broadcast %scan3A : f32 to vector<16xf32>
      %lt3A_46 = arith.cmpf olt, %add3A_44, %lt3A_45 : vector<16xf32>
      %jit3A = arith.constant 0.000000e+00 : f32
      %broadcast_in_dim3A = vector.broadcast %jit3A : f32 to vector<16xf32>
      %select_n3A_47 = arith.select %lt3A_46, %get3A_35, %broadcast_in_dim3A : vector<16xi1>, vector<16xf32>
      %add3A_48 = arith.addf %scan3A_29, %get3A_35 : vector<16xf32>
      %add3A_49 = arith.addf %add3A_48, %get3A_16 : vector<16xf32>
      %lt3A_50 = vector.broadcast %scan3A : f32 to vector<16xf32>
      %lt3A_51 = arith.cmpf olt, %add3A_49, %lt3A_50 : vector<16xf32>
      %jit3A_52 = arith.constant 0.000000e+00 : f32
      %broadcast_in_dim3A_53 = vector.broadcast %jit3A_52 : f32 to vector<16xf32>
      %select_n3A_54 = arith.select %lt3A_51, %get3A_43, %broadcast_in_dim3A_53 : vector<16xi1>, vector<16xf32>
      %add3A_55 = arith.addf %add3A_48, %get3A_43 : vector<16xf32>
      %mul3A_56 = arith.constant 2 : i32
      %mul3A_57 = arith.muli %mul3A_56, %scan3A_28 : i32
      %get3A_58 = arith.index_cast %mul3A_57 : i32 to index
      %get3A_59 = arith.constant 0 : index
      %get3A_60 = tpu.vector_load %arg8[%get3A_58, %get3A_59] {strides = array<i32>} : memref<256x16xf32, #tpu.memory_space<vmem>>, vector<1x16xf32>,
      %get3A_61 = vector.shape_cast %get3A_60 : vector<1x16xf32> to vector<16xf32>
      %mul3A_62 = arith.mulf %select_n3A_47, %get3A_61 : vector<16xf32>
      %mul3A_63 = arith.constant 2 : i32
      %mul3A_64 = arith.muli %mul3A_63, %scan3A_28 : i32
      %add3A_65 = arith.constant 1 : i32
      %add3A_66 = arith.addi %mul3A_64, %add3A_65 : i32
      %get3A_67 = arith.index_cast %add3A_66 : i32 to index
      %get3A_68 = arith.constant 0 : index
      %get3A_69 = tpu.vector_load %arg8[%get3A_67, %get3A_68] {strides = array<i32>} : memref<256x16xf32, #tpu.memory_space<vmem>>, vector<1x16xf32>,
      %get3A_70 = vector.shape_cast %get3A_69 : vector<1x16xf32> to vector<16xf32>
      %mul3A_71 = arith.mulf %select_n3A_54, %get3A_70 : vector<16xf32>
      %broadcast_in_dim3A_72 = vector.shape_cast %select_n3A : vector<16xi32> to vector<16x1xi32>
      %gather3A = vector.shape_cast %broadcast_in_dim3A_72 : vector<16x1xi32> to vector<16xi32>
      %gather3A_73 = tpu.dynamic_gather %select_n3A_47[%gather3A] in [0] : vector<16xf32>, vector<16xi32> -> vector<16xf32>
      %add3A_74 = arith.addf %select_n3A_47, %gather3A_73 : vector<16xf32>
      %broadcast_in_dim3A_75 = vector.shape_cast %select_n3A : vector<16xi32> to vector<16x1xi32>
      %gather3A_76 = vector.shape_cast %broadcast_in_dim3A_75 : vector<16x1xi32> to vector<16xi32>
      %gather3A_77 = tpu.dynamic_gather %select_n3A_54[%gather3A_76] in [0] : vector<16xf32>, vector<16xi32> -> vector<16xf32>
      %add3A_78 = arith.addf %select_n3A_54, %gather3A_77 : vector<16xf32>
      %broadcast_in_dim3A_79 = vector.shape_cast %rem3A_4 : vector<16xi32> to vector<16x1xi32>
      %gather3A_80 = vector.shape_cast %broadcast_in_dim3A_79 : vector<16x1xi32> to vector<16xi32>
      %gather3A_81 = tpu.dynamic_gather %add3A_78[%gather3A_80] in [0] : vector<16xf32>, vector<16xi32> -> vector<16xf32>
      %select_n3A_82 = arith.select %lt3A_12, %add3A_74, %gather3A_81 : vector<16xi1>, vector<16xf32>
      %swap3A = arith.index_cast %scan3A_28 : i32 to index
      %swap3A_83 = arith.constant 0 : index
      %swap3A_84 = tpu.vector_load %arg9[%swap3A, %swap3A_83] {strides = array<i32>} : memref<128x16xf32, #tpu.memory_space<vmem>>, vector<1x16xf32>,
      %swap3A_85 = vector.shape_cast %swap3A_84 : vector<1x16xf32> to vector<16xf32>
      %swap3A_86 = vector.shape_cast %select_n3A_82 : vector<16xf32> to vector<1x16xf32>
      tpu.vector_store %arg9[%swap3A, %swap3A_83], %swap3A_86 {strides = array<i32>} : memref<128x16xf32, #tpu.memory_space<vmem>>, vector<1x16xf32>,
      %broadcast_in_dim3A_87 = vector.shape_cast %select_n3A : vector<16xi32> to vector<16x1xi32>
      %gather3A_88 = vector.shape_cast %broadcast_in_dim3A_87 : vector<16x1xi32> to vector<16xi32>
      %gather3A_89 = tpu.dynamic_gather %mul3A_62[%gather3A_88] in [0] : vector<16xf32>, vector<16xi32> -> vector<16xf32>
      %add3A_90 = arith.addf %mul3A_62, %gather3A_89 : vector<16xf32>
      %broadcast_in_dim3A_91 = vector.shape_cast %select_n3A : vector<16xi32> to vector<16x1xi32>
      %gather3A_92 = vector.shape_cast %broadcast_in_dim3A_91 : vector<16x1xi32> to vector<16xi32>
      %gather3A_93 = tpu.dynamic_gather %mul3A_71[%gather3A_92] in [0] : vector<16xf32>, vector<16xi32> -> vector<16xf32>
      %add3A_94 = arith.addf %mul3A_71, %gather3A_93 : vector<16xf32>
      %broadcast_in_dim3A_95 = vector.shape_cast %rem3A_4 : vector<16xi32> to vector<16x1xi32>
      %gather3A_96 = vector.shape_cast %broadcast_in_dim3A_95 : vector<16x1xi32> to vector<16xi32>
      %gather3A_97 = tpu.dynamic_gather %add3A_94[%gather3A_96] in [0] : vector<16xf32>, vector<16xi32> -> vector<16xf32>
      %select_n3A_98 = arith.select %lt3A_12, %add3A_90, %gather3A_97 : vector<16xi1>, vector<16xf32>
      %swap3A_99 = arith.index_cast %scan3A_28 : i32 to index
      %swap3A_100 = arith.constant 0 : index
      %swap3A_101 = tpu.vector_load %arg10[%swap3A_99, %swap3A_100] {strides = array<i32>} : memref<128x16xf32, #tpu.memory_space<vmem>>, vector<1x16xf32>,
      %swap3A_102 = vector.shape_cast %swap3A_101 : vector<1x16xf32> to vector<16xf32>
      %swap3A_103 = vector.shape_cast %select_n3A_98 : vector<16xf32> to vector<1x16xf32>
      tpu.vector_store %arg10[%swap3A_99, %swap3A_100], %swap3A_103 {strides = array<i32>} : memref<128x16xf32, #tpu.memory_space<vmem>>, vector<1x16xf32>,
      scf.yield %add3A_55 : vector<16xf32>
    }
    %scan3A_25 = arith.constant 128 : i32
    %mul3A_26 = arith.constant 128 : i32
    %mul3A_27 = arith.muli %add3A, %mul3A_26 : i32
    "tpu.region"() ({
      %run_scoped3A = tpu.sem_alloc : memref<!tpu.dma_semaphore, #tpu.memory_space<semaphore_mem>>
      %dma_start3A = arith.constant 0 : i32
      %dma_start3A_28 = tpu.memref_slice %arg5[%mul3A_27, %dma_start3A] : memref<4096x16xf32, #tpu.memory_space<hbm>> -> memref<128x16xf32, #tpu.memory_space<hbm>>
      %dma_start3A_29 = arith.constant 0 : i32
      %dma_start3A_30 = tpu.memref_slice %arg5[%mul3A_27, %dma_start3A_29] : memref<4096x16xf32, #tpu.memory_space<hbm>> -> memref<128x16xf32, #tpu.memory_space<hbm>>
      tpu.enqueue_dma source(%arg9 : memref<128x16xf32, #tpu.memory_space<vmem>>) target(%dma_start3A_30 : memref<128x16xf32, #tpu.memory_space<hbm>>) target_semaphore(%run_scoped3A : memref<!tpu.dma_semaphore, #tpu.memory_space<semaphore_mem>>)
      %dma_wait3A = arith.constant 0 : i32
      %dma_wait3A_31 = tpu.memref_slice %arg5[%mul3A_27, %dma_wait3A] : memref<4096x16xf32, #tpu.memory_space<hbm>> -> memref<128x16xf32, #tpu.memory_space<hbm>>
      %dma_wait3A_32 = arith.constant 0 : i32
      %dma_wait3A_33 = tpu.memref_slice %arg5[%mul3A_27, %dma_wait3A_32] : memref<4096x16xf32, #tpu.memory_space<hbm>> -> memref<128x16xf32, #tpu.memory_space<hbm>>
      tpu.wait_dma2 semaphore(%run_scoped3A : memref<!tpu.dma_semaphore, #tpu.memory_space<semaphore_mem>>) src(%arg9 : memref<128x16xf32, #tpu.memory_space<vmem>>) dst(%dma_wait3A_33 : memref<128x16xf32, #tpu.memory_space<hbm>>)
      tpu.yield
    }) : () -> ()
    "tpu.region"() ({
      %run_scoped3A = tpu.sem_alloc : memref<!tpu.dma_semaphore, #tpu.memory_space<semaphore_mem>>
      %dma_start3A = arith.constant 0 : i32
      %dma_start3A_28 = tpu.memref_slice %arg6[%mul3A_27, %dma_start3A] : memref<4096x16xf32, #tpu.memory_space<hbm>> -> memref<128x16xf32, #tpu.memory_space<hbm>>
      %dma_start3A_29 = arith.constant 0 : i32
      %dma_start3A_30 = tpu.memref_slice %arg6[%mul3A_27, %dma_start3A_29] : memref<4096x16xf32, #tpu.memory_space<hbm>> -> memref<128x16xf32, #tpu.memory_space<hbm>>
      tpu.enqueue_dma source(%arg10 : memref<128x16xf32, #tpu.memory_space<vmem>>) target(%dma_start3A_30 : memref<128x16xf32, #tpu.memory_space<hbm>>) target_semaphore(%run_scoped3A : memref<!tpu.dma_semaphore, #tpu.memory_space<semaphore_mem>>)
      %dma_wait3A = arith.constant 0 : i32
      %dma_wait3A_31 = tpu.memref_slice %arg6[%mul3A_27, %dma_wait3A] : memref<4096x16xf32, #tpu.memory_space<hbm>> -> memref<128x16xf32, #tpu.memory_space<hbm>>
      %dma_wait3A_32 = arith.constant 0 : i32
      %dma_wait3A_33 = tpu.memref_slice %arg6[%mul3A_27, %dma_wait3A_32] : memref<4096x16xf32, #tpu.memory_space<hbm>> -> memref<128x16xf32, #tpu.memory_space<hbm>>
      tpu.wait_dma2 semaphore(%run_scoped3A : memref<!tpu.dma_semaphore, #tpu.memory_space<semaphore_mem>>) src(%arg10 : memref<128x16xf32, #tpu.memory_space<vmem>>) dst(%dma_wait3A_33 : memref<128x16xf32, #tpu.memory_space<hbm>>)
      tpu.yield
    }) : () -> ()
    return
  }
}

module attributes {stable_mosaic.version = 14 : i64} {
  func.func @_router_body(%arg0: i32, %arg1: memref<1x2048x1024xf32, #tpu.memory_space<vmem>>, %arg2: memref<1024x8xf32, #tpu.memory_space<vmem>>, %arg3: memref<1x2048x8xf32, #tpu.memory_space<vmem>>, %arg4: memref<1x2048x16xf32, #tpu.memory_space<vmem>>, %arg5: memref<1x2048x16xf32, #tpu.memory_space<vmem>>, %arg6: memref<1x8x16xf32, #tpu.memory_space<vmem>>, %arg7: memref<1x1x1xf32, #tpu.memory_space<vmem>>, %arg8: memref<1x1x1xf32, #tpu.memory_space<vmem>>) attributes {dimension_semantics = [#tpu.dimension_semantics<arbitrary>], iteration_bounds = array<i64: 4>, scalar_prefetch = 0 : i64, scratch_operands = 0 : i64, tpu.core_type = #tpu.core_type<tc>, window_params = [{transform_indices = @transform_0, window_bounds = array<i64: 1, 2048, 1024>}, {pipeline_mode = #tpu.pipeline_mode<synchronous>, transform_indices = @transform_1, window_bounds = array<i64: 1024, 8>}, {transform_indices = @transform_2, window_bounds = array<i64: 1, 2048, 8>}, {transform_indices = @transform_3, window_bounds = array<i64: 1, 2048, 16>}, {transform_indices = @transform_4, window_bounds = array<i64: 1, 2048, 16>}, {transform_indices = @transform_5, window_bounds = array<i64: 1, 8, 16>}, {transform_indices = @transform_6, window_bounds = array<i64: 1, 1, 1>}, {transform_indices = @transform_7, window_bounds = array<i64: 1, 1, 1>}]} {
    %get3A = arith.constant 0 : index
    %get3A_0 = arith.constant 0 : index
    %get3A_1 = arith.constant 0 : index
    %get3A_2 = vector.load %arg1[%get3A, %get3A_0, %get3A_1] : memref<1x2048x1024xf32, #tpu.memory_space<vmem>>, vector<1x2048x1024xf32>
    %get3A_3 = vector.shape_cast %get3A_2 : vector<1x2048x1024xf32> to vector<2048x1024xf32>
    %get3A_4 = arith.constant 0 : index
    %get3A_5 = arith.constant 0 : index
    %get3A_6 = vector.load %arg2[%get3A_4, %get3A_5] : memref<1024x8xf32, #tpu.memory_space<vmem>>, vector<1024x8xf32>
    %dot_general3A = arith.constant dense<0.000000e+00> : vector<2048x8xf32>
    %dot_general3A_7 = tpu.matmul %get3A_3, %get3A_6, %dot_general3A {dimension_numbers = #tpu.dot_dimension_numbers<[1], [0], [0], [1], [0, 0, 1, 1], [], []>, transpose_lhs_hint = false} : vector<2048x1024xf32>, vector<1024x8xf32>, vector<2048x8xf32> -> vector<2048x8xf32>
    %reduce_max3A = arith.constant dense<0xFF800000> : vector<2048xf32>
    %reduce_max3A_8 = vector.multi_reduction <maximumf>, %dot_general3A_7, %reduce_max3A [1] : vector<2048x8xf32> to vector<2048xf32>
    %broadcast_in_dim3A = vector.shape_cast %reduce_max3A_8 : vector<2048xf32> to vector<2048x1xf32>
    %sub3A = vector.broadcast %broadcast_in_dim3A : vector<2048x1xf32> to vector<2048x8xf32>
    %sub3A_9 = arith.subf %dot_general3A_7, %sub3A : vector<2048x8xf32>
    %exp3A = math.exp %sub3A_9 : vector<2048x8xf32>
    %reduce_sum3A = arith.constant dense<0.000000e+00> : vector<2048xf32>
    %reduce_sum3A_10 = vector.multi_reduction <add>, %exp3A, %reduce_sum3A [1] : vector<2048x8xf32> to vector<2048xf32>
    %broadcast_in_dim3A_11 = vector.shape_cast %reduce_sum3A_10 : vector<2048xf32> to vector<2048x1xf32>
    %div3A = vector.broadcast %broadcast_in_dim3A_11 : vector<2048x1xf32> to vector<2048x8xf32>
    %div3A_12 = arith.divf %exp3A, %div3A : vector<2048x8xf32>
    %swap3A = arith.constant 0 : index
    %swap3A_13 = arith.constant 0 : index
    %swap3A_14 = arith.constant 0 : index
    %swap3A_15 = vector.load %arg3[%swap3A, %swap3A_13, %swap3A_14] : memref<1x2048x8xf32, #tpu.memory_space<vmem>>, vector<1x2048x8xf32>
    %swap3A_16 = vector.shape_cast %swap3A_15 : vector<1x2048x8xf32> to vector<2048x8xf32>
    %swap3A_17 = vector.shape_cast %div3A_12 : vector<2048x8xf32> to vector<1x2048x8xf32>
    tpu.vector_store %arg3[%swap3A, %swap3A_13, %swap3A_14], %swap3A_17 {strides = array<i32>} : memref<1x2048x8xf32, #tpu.memory_space<vmem>>, vector<1x2048x8xf32>,
    %log3A = math.log %broadcast_in_dim3A_11 : vector<2048x1xf32>
    %add3A = arith.addf %broadcast_in_dim3A, %log3A : vector<2048x1xf32>
    %mul3A = arith.mulf %add3A, %add3A : vector<2048x1xf32>
    %reduce_sum3A_18 = vector.shape_cast %mul3A : vector<2048x1xf32> to vector<1x2048x1xf32>
    %reduce_sum3A_19 = arith.constant dense<0.000000e+00> : vector<1xf32>
    %reduce_sum3A_20 = vector.multi_reduction <add>, %reduce_sum3A_18, %reduce_sum3A_19 [1, 2] : vector<1x2048x1xf32> to vector<1xf32>
    %reduce_sum3A_21 = vector.shape_cast %reduce_sum3A_20 : vector<1xf32> to vector<1x1x1xf32>
    %reduce_sum3A_22 = vector.extract %reduce_sum3A_21[0, 0, 0] : f32 from vector<1x1x1xf32>
    %reshape3A = vector.broadcast %reduce_sum3A_22 : f32 to vector<1x1x1xf32>
    %swap3A_23 = arith.constant 0 : index
    %swap3A_24 = arith.constant 0 : index
    %swap3A_25 = arith.constant 0 : index
    %swap3A_26 = vector.load %arg8[%swap3A_23, %swap3A_24, %swap3A_25] : memref<1x1x1xf32, #tpu.memory_space<vmem>>, vector<1x1x1xf32>
    tpu.vector_store %arg8[%swap3A_23, %swap3A_24, %swap3A_25], %reshape3A {strides = array<i32>} : memref<1x1x1xf32, #tpu.memory_space<vmem>>, vector<1x1x1xf32>,
    %mul3A_27 = arith.mulf %div3A_12, %div3A_12 : vector<2048x8xf32>
    %reduce_sum3A_28 = vector.shape_cast %mul3A_27 : vector<2048x8xf32> to vector<1x2048x8xf32>
    %reduce_sum3A_29 = arith.constant dense<0.000000e+00> : vector<1xf32>
    %reduce_sum3A_30 = vector.multi_reduction <add>, %reduce_sum3A_28, %reduce_sum3A_29 [1, 2] : vector<1x2048x8xf32> to vector<1xf32>
    %reduce_sum3A_31 = vector.shape_cast %reduce_sum3A_30 : vector<1xf32> to vector<1x1x1xf32>
    %reduce_sum3A_32 = vector.extract %reduce_sum3A_31[0, 0, 0] : f32 from vector<1x1x1xf32>
    %reshape3A_33 = vector.broadcast %reduce_sum3A_32 : f32 to vector<1x1x1xf32>
    %swap3A_34 = arith.constant 0 : index
    %swap3A_35 = arith.constant 0 : index
    %swap3A_36 = arith.constant 0 : index
    %swap3A_37 = vector.load %arg7[%swap3A_34, %swap3A_35, %swap3A_36] : memref<1x1x1xf32, #tpu.memory_space<vmem>>, vector<1x1x1xf32>
    tpu.vector_store %arg7[%swap3A_34, %swap3A_35, %swap3A_36], %reshape3A_33 {strides = array<i32>} : memref<1x1x1xf32, #tpu.memory_space<vmem>>, vector<1x1x1xf32>,
    %iota3A = tpu.iota {dimensions = array<i32: 1>} : vector<2048x8xi32>
    %reduce_max3A_38 = arith.constant dense<0xFF800000> : vector<2048xf32>
    %reduce_max3A_39 = vector.multi_reduction <maximumf>, %div3A_12, %reduce_max3A_38 [1] : vector<2048x8xf32> to vector<2048xf32>
    %broadcast_in_dim3A_40 = vector.shape_cast %reduce_max3A_39 : vector<2048xf32> to vector<2048x1xf32>
    %eq3A = vector.broadcast %broadcast_in_dim3A_40 : vector<2048x1xf32> to vector<2048x8xf32>
    %eq3A_41 = arith.cmpf oeq, %div3A_12, %eq3A : vector<2048x8xf32>
    %jit3A = arith.constant 8 : i32
    %broadcast_in_dim3A_42 = vector.broadcast %jit3A : i32 to vector<2048x8xi32>
    %select_n3A = arith.select %eq3A_41, %iota3A, %broadcast_in_dim3A_42 : vector<2048x8xi1>, vector<2048x8xi32>
    %reduce_min3A = arith.constant dense<2147483647> : vector<2048xi32>
    %reduce_min3A_43 = vector.multi_reduction <minsi>, %select_n3A, %reduce_min3A [1] : vector<2048x8xi32> to vector<2048xi32>
    %broadcast_in_dim3A_44 = vector.shape_cast %reduce_min3A_43 : vector<2048xi32> to vector<2048x1xi32>
    %eq3A_45 = vector.broadcast %broadcast_in_dim3A_44 : vector<2048x1xi32> to vector<2048x8xi32>
    %eq3A_46 = arith.cmpi eq, %iota3A, %eq3A_45 : vector<2048x8xi32>
    %jit3A_47 = arith.constant -1.000000e+00 : f32
    %broadcast_in_dim3A_48 = vector.broadcast %jit3A_47 : f32 to vector<2048x8xf32>
    %select_n3A_49 = arith.select %eq3A_46, %broadcast_in_dim3A_48, %div3A_12 : vector<2048x8xi1>, vector<2048x8xf32>
    %reduce_max3A_50 = arith.constant dense<0xFF800000> : vector<2048xf32>
    %reduce_max3A_51 = vector.multi_reduction <maximumf>, %select_n3A_49, %reduce_max3A_50 [1] : vector<2048x8xf32> to vector<2048xf32>
    %broadcast_in_dim3A_52 = vector.shape_cast %reduce_max3A_51 : vector<2048xf32> to vector<2048x1xf32>
    %eq3A_53 = vector.broadcast %broadcast_in_dim3A_52 : vector<2048x1xf32> to vector<2048x8xf32>
    %eq3A_54 = arith.cmpf oeq, %select_n3A_49, %eq3A_53 : vector<2048x8xf32>
    %jit3A_55 = arith.constant 8 : i32
    %broadcast_in_dim3A_56 = vector.broadcast %jit3A_55 : i32 to vector<2048x8xi32>
    %select_n3A_57 = arith.select %eq3A_54, %iota3A, %broadcast_in_dim3A_56 : vector<2048x8xi1>, vector<2048x8xi32>
    %reduce_min3A_58 = arith.constant dense<2147483647> : vector<2048xi32>
    %reduce_min3A_59 = vector.multi_reduction <minsi>, %select_n3A_57, %reduce_min3A_58 [1] : vector<2048x8xi32> to vector<2048xi32>
    %broadcast_in_dim3A_60 = vector.shape_cast %reduce_min3A_59 : vector<2048xi32> to vector<2048x1xi32>
    %add3A_61 = arith.addf %broadcast_in_dim3A_40, %broadcast_in_dim3A_52 : vector<2048x1xf32>
    %div3A_62 = arith.divf %broadcast_in_dim3A_40, %add3A_61 : vector<2048x1xf32>
    %div3A_63 = arith.divf %broadcast_in_dim3A_52, %add3A_61 : vector<2048x1xf32>
    %eq3A_64 = vector.broadcast %broadcast_in_dim3A_44 : vector<2048x1xi32> to vector<2048x8xi32>
    %eq3A_65 = arith.cmpi eq, %iota3A, %eq3A_64 : vector<2048x8xi32>
    %eq3A_66 = vector.broadcast %broadcast_in_dim3A_60 : vector<2048x1xi32> to vector<2048x8xi32>
    %eq3A_67 = arith.cmpi eq, %iota3A, %eq3A_66 : vector<2048x8xi32>
    %convert_element_type3A = arith.extui %eq3A_65 : vector<2048x8xi1> to vector<2048x8xi32>
    %convert_element_type3A_68 = arith.sitofp %convert_element_type3A : vector<2048x8xi32> to vector<2048x8xf32>
    %convert_element_type3A_69 = arith.extui %eq3A_67 : vector<2048x8xi1> to vector<2048x8xi32>
    %convert_element_type3A_70 = arith.sitofp %convert_element_type3A_69 : vector<2048x8xi32> to vector<2048x8xf32>
    %concatenate3A = tpu.concatenate %convert_element_type3A_68, %convert_element_type3A_70 in 1 : vector<2048x8xf32>, vector<2048x8xf32> -> vector<2048x16xf32>
    %swap3A_71 = arith.constant 0 : index
    %swap3A_72 = arith.constant 0 : index
    %swap3A_73 = arith.constant 0 : index
    %swap3A_74 = vector.load %arg4[%swap3A_71, %swap3A_72, %swap3A_73] : memref<1x2048x16xf32, #tpu.memory_space<vmem>>, vector<1x2048x16xf32>
    %swap3A_75 = vector.shape_cast %swap3A_74 : vector<1x2048x16xf32> to vector<2048x16xf32>
    %swap3A_76 = vector.shape_cast %concatenate3A : vector<2048x16xf32> to vector<1x2048x16xf32>
    tpu.vector_store %arg4[%swap3A_71, %swap3A_72, %swap3A_73], %swap3A_76 {strides = array<i32>} : memref<1x2048x16xf32, #tpu.memory_space<vmem>>, vector<1x2048x16xf32>,
    %jit3A_77 = arith.constant 0.000000e+00 : f32
    %broadcast_in_dim3A_78 = vector.shape_cast %div3A_62 : vector<2048x1xf32> to vector<2048x1xf32>
    %broadcast_in_dim3A_79 = vector.broadcast %broadcast_in_dim3A_78 : vector<2048x1xf32> to vector<2048x8xf32>
    %broadcast_in_dim3A_80 = vector.broadcast %jit3A_77 : f32 to vector<2048x8xf32>
    %select_n3A_81 = arith.select %eq3A_65, %broadcast_in_dim3A_79, %broadcast_in_dim3A_80 : vector<2048x8xi1>, vector<2048x8xf32>
    %jit3A_82 = arith.constant 0.000000e+00 : f32
    %broadcast_in_dim3A_83 = vector.shape_cast %div3A_63 : vector<2048x1xf32> to vector<2048x1xf32>
    %broadcast_in_dim3A_84 = vector.broadcast %broadcast_in_dim3A_83 : vector<2048x1xf32> to vector<2048x8xf32>
    %broadcast_in_dim3A_85 = vector.broadcast %jit3A_82 : f32 to vector<2048x8xf32>
    %select_n3A_86 = arith.select %eq3A_67, %broadcast_in_dim3A_84, %broadcast_in_dim3A_85 : vector<2048x8xi1>, vector<2048x8xf32>
    %concatenate3A_87 = tpu.concatenate %select_n3A_81, %select_n3A_86 in 1 : vector<2048x8xf32>, vector<2048x8xf32> -> vector<2048x16xf32>
    %swap3A_88 = arith.constant 0 : index
    %swap3A_89 = arith.constant 0 : index
    %swap3A_90 = arith.constant 0 : index
    %swap3A_91 = vector.load %arg5[%swap3A_88, %swap3A_89, %swap3A_90] : memref<1x2048x16xf32, #tpu.memory_space<vmem>>, vector<1x2048x16xf32>
    %swap3A_92 = vector.shape_cast %swap3A_91 : vector<1x2048x16xf32> to vector<2048x16xf32>
    %swap3A_93 = vector.shape_cast %concatenate3A_87 : vector<2048x16xf32> to vector<1x2048x16xf32>
    tpu.vector_store %arg5[%swap3A_88, %swap3A_89, %swap3A_90], %swap3A_93 {strides = array<i32>} : memref<1x2048x16xf32, #tpu.memory_space<vmem>>, vector<1x2048x16xf32>,
    %slice3A = vector.extract_strided_slice %concatenate3A {offsets = [0, 0], sizes = [256, 16], strides = [1, 1]} : vector<2048x16xf32> to vector<256x16xf32>
    %reduce_sum3A_94 = arith.constant dense<0.000000e+00> : vector<16xf32>
    %reduce_sum3A_95 = vector.multi_reduction <add>, %slice3A, %reduce_sum3A_94 [0] : vector<256x16xf32> to vector<16xf32>
    %broadcast_in_dim3A_96 = vector.shape_cast %reduce_sum3A_95 : vector<16xf32> to vector<1x16xf32>
    %slice3A_97 = vector.extract_strided_slice %concatenate3A {offsets = [256, 0], sizes = [256, 16], strides = [1, 1]} : vector<2048x16xf32> to vector<256x16xf32>
    %reduce_sum3A_98 = arith.constant dense<0.000000e+00> : vector<16xf32>
    %reduce_sum3A_99 = vector.multi_reduction <add>, %slice3A_97, %reduce_sum3A_98 [0] : vector<256x16xf32> to vector<16xf32>
    %broadcast_in_dim3A_100 = vector.shape_cast %reduce_sum3A_99 : vector<16xf32> to vector<1x16xf32>
    %slice3A_101 = vector.extract_strided_slice %concatenate3A {offsets = [512, 0], sizes = [256, 16], strides = [1, 1]} : vector<2048x16xf32> to vector<256x16xf32>
    %reduce_sum3A_102 = arith.constant dense<0.000000e+00> : vector<16xf32>
    %reduce_sum3A_103 = vector.multi_reduction <add>, %slice3A_101, %reduce_sum3A_102 [0] : vector<256x16xf32> to vector<16xf32>
    %broadcast_in_dim3A_104 = vector.shape_cast %reduce_sum3A_103 : vector<16xf32> to vector<1x16xf32>
    %slice3A_105 = vector.extract_strided_slice %concatenate3A {offsets = [768, 0], sizes = [256, 16], strides = [1, 1]} : vector<2048x16xf32> to vector<256x16xf32>
    %reduce_sum3A_106 = arith.constant dense<0.000000e+00> : vector<16xf32>
    %reduce_sum3A_107 = vector.multi_reduction <add>, %slice3A_105, %reduce_sum3A_106 [0] : vector<256x16xf32> to vector<16xf32>
    %broadcast_in_dim3A_108 = vector.shape_cast %reduce_sum3A_107 : vector<16xf32> to vector<1x16xf32>
    %slice3A_109 = vector.extract_strided_slice %concatenate3A {offsets = [1024, 0], sizes = [256, 16], strides = [1, 1]} : vector<2048x16xf32> to vector<256x16xf32>
    %reduce_sum3A_110 = arith.constant dense<0.000000e+00> : vector<16xf32>
    %reduce_sum3A_111 = vector.multi_reduction <add>, %slice3A_109, %reduce_sum3A_110 [0] : vector<256x16xf32> to vector<16xf32>
    %broadcast_in_dim3A_112 = vector.shape_cast %reduce_sum3A_111 : vector<16xf32> to vector<1x16xf32>
    %slice3A_113 = vector.extract_strided_slice %concatenate3A {offsets = [1280, 0], sizes = [256, 16], strides = [1, 1]} : vector<2048x16xf32> to vector<256x16xf32>
    %reduce_sum3A_114 = arith.constant dense<0.000000e+00> : vector<16xf32>
    %reduce_sum3A_115 = vector.multi_reduction <add>, %slice3A_113, %reduce_sum3A_114 [0] : vector<256x16xf32> to vector<16xf32>
    %broadcast_in_dim3A_116 = vector.shape_cast %reduce_sum3A_115 : vector<16xf32> to vector<1x16xf32>
    %slice3A_117 = vector.extract_strided_slice %concatenate3A {offsets = [1536, 0], sizes = [256, 16], strides = [1, 1]} : vector<2048x16xf32> to vector<256x16xf32>
    %reduce_sum3A_118 = arith.constant dense<0.000000e+00> : vector<16xf32>
    %reduce_sum3A_119 = vector.multi_reduction <add>, %slice3A_117, %reduce_sum3A_118 [0] : vector<256x16xf32> to vector<16xf32>
    %broadcast_in_dim3A_120 = vector.shape_cast %reduce_sum3A_119 : vector<16xf32> to vector<1x16xf32>
    %slice3A_121 = vector.extract_strided_slice %concatenate3A {offsets = [1792, 0], sizes = [256, 16], strides = [1, 1]} : vector<2048x16xf32> to vector<256x16xf32>
    %reduce_sum3A_122 = arith.constant dense<0.000000e+00> : vector<16xf32>
    %reduce_sum3A_123 = vector.multi_reduction <add>, %slice3A_121, %reduce_sum3A_122 [0] : vector<256x16xf32> to vector<16xf32>
    %broadcast_in_dim3A_124 = vector.shape_cast %reduce_sum3A_123 : vector<16xf32> to vector<1x16xf32>
    %broadcast_in_dim3A_125 = arith.constant 0.000000e+00 : f32
    %broadcast_in_dim3A_126 = vector.broadcast %broadcast_in_dim3A_125 : f32 to vector<1x16xf32>
    %add3A_127 = arith.addf %broadcast_in_dim3A_126, %broadcast_in_dim3A_96 : vector<1x16xf32>
    %add3A_128 = arith.addf %add3A_127, %broadcast_in_dim3A_100 : vector<1x16xf32>
    %add3A_129 = arith.addf %add3A_128, %broadcast_in_dim3A_104 : vector<1x16xf32>
    %add3A_130 = arith.addf %add3A_129, %broadcast_in_dim3A_108 : vector<1x16xf32>
    %add3A_131 = arith.addf %add3A_130, %broadcast_in_dim3A_112 : vector<1x16xf32>
    %add3A_132 = arith.addf %add3A_131, %broadcast_in_dim3A_116 : vector<1x16xf32>
    %add3A_133 = arith.addf %add3A_132, %broadcast_in_dim3A_120 : vector<1x16xf32>
    %add3A_134 = arith.addf %add3A_133, %broadcast_in_dim3A_124 : vector<1x16xf32>
    %concatenate3A_135 = tpu.concatenate %broadcast_in_dim3A_126, %add3A_127, %add3A_128, %add3A_129, %add3A_130, %add3A_131, %add3A_132, %add3A_133 in 0 : vector<1x16xf32>, vector<1x16xf32>, vector<1x16xf32>, vector<1x16xf32>, vector<1x16xf32>, vector<1x16xf32>, vector<1x16xf32>, vector<1x16xf32> -> vector<8x16xf32>
    %slice3A_136 = vector.extract_strided_slice %concatenate3A_135 {offsets = [0, 0], sizes = [8, 8], strides = [1, 1]} : vector<8x16xf32> to vector<8x8xf32>
    %slice3A_137 = vector.extract_strided_slice %concatenate3A_135 {offsets = [0, 8], sizes = [8, 8], strides = [1, 1]} : vector<8x16xf32> to vector<8x8xf32>
    %slice3A_138 = vector.extract_strided_slice %add3A_134 {offsets = [0, 0], sizes = [1, 8], strides = [1, 1]} : vector<1x16xf32> to vector<1x8xf32>
    %add3A_139 = vector.broadcast %slice3A_138 : vector<1x8xf32> to vector<8x8xf32>
    %add3A_140 = arith.addf %slice3A_137, %add3A_139 : vector<8x8xf32>
    %concatenate3A_141 = tpu.concatenate %slice3A_136, %add3A_140 in 1 : vector<8x8xf32>, vector<8x8xf32> -> vector<8x16xf32>
    %swap3A_142 = arith.constant 0 : index
    %swap3A_143 = arith.constant 0 : index
    %swap3A_144 = arith.constant 0 : index
    %swap3A_145 = vector.load %arg6[%swap3A_142, %swap3A_143, %swap3A_144] : memref<1x8x16xf32, #tpu.memory_space<vmem>>, vector<1x8x16xf32>
    %swap3A_146 = vector.shape_cast %swap3A_145 : vector<1x8x16xf32> to vector<8x16xf32>
    %swap3A_147 = vector.shape_cast %concatenate3A_141 : vector<8x16xf32> to vector<1x8x16xf32>
    tpu.vector_store %arg6[%swap3A_142, %swap3A_143, %swap3A_144], %swap3A_147 {strides = array<i32>} : memref<1x8x16xf32, #tpu.memory_space<vmem>>, vector<1x8x16xf32>,
    return
  }
  func.func @transform_0(%arg0: i32) -> (i32, i32, i32) {
    %c0_i32 = arith.constant 0 : i32
    %c0_i32_0 = arith.constant 0 : i32
    %c0_i32_1 = arith.constant 0 : i32
    return %arg0, %c0_i32, %c0_i32_0 : i32, i32, i32
  }
  func.func @transform_1(%arg0: i32) -> (i32, i32) {
    %c0_i32 = arith.constant 0 : i32
    %c0_i32_0 = arith.constant 0 : i32
    %c0_i32_1 = arith.constant 0 : i32
    return %c0_i32, %c0_i32_0 : i32, i32
  }
  func.func @transform_2(%arg0: i32) -> (i32, i32, i32) {
    %c0_i32 = arith.constant 0 : i32
    %c0_i32_0 = arith.constant 0 : i32
    %c0_i32_1 = arith.constant 0 : i32
    return %arg0, %c0_i32, %c0_i32_0 : i32, i32, i32
  }
  func.func @transform_3(%arg0: i32) -> (i32, i32, i32) {
    %c0_i32 = arith.constant 0 : i32
    %c0_i32_0 = arith.constant 0 : i32
    %c0_i32_1 = arith.constant 0 : i32
    return %arg0, %c0_i32, %c0_i32_0 : i32, i32, i32
  }
  func.func @transform_4(%arg0: i32) -> (i32, i32, i32) {
    %c0_i32 = arith.constant 0 : i32
    %c0_i32_0 = arith.constant 0 : i32
    %c0_i32_1 = arith.constant 0 : i32
    return %arg0, %c0_i32, %c0_i32_0 : i32, i32, i32
  }
  func.func @transform_5(%arg0: i32) -> (i32, i32, i32) {
    %c0_i32 = arith.constant 0 : i32
    %c0_i32_0 = arith.constant 0 : i32
    %c0_i32_1 = arith.constant 0 : i32
    return %arg0, %c0_i32, %c0_i32_0 : i32, i32, i32
  }
  func.func @transform_6(%arg0: i32) -> (i32, i32, i32) {
    %c0_i32 = arith.constant 0 : i32
    %c0_i32_0 = arith.constant 0 : i32
    %c0_i32_1 = arith.constant 0 : i32
    return %arg0, %c0_i32, %c0_i32_0 : i32, i32, i32
  }
  func.func @transform_7(%arg0: i32) -> (i32, i32, i32) {
    %c0_i32 = arith.constant 0 : i32
    %c0_i32_0 = arith.constant 0 : i32
    %c0_i32_1 = arith.constant 0 : i32
    return %arg0, %c0_i32, %c0_i32_0 : i32, i32, i32
  }
}

</mosaic_0001>

<sc_bundles>
// kernel: kernel.4.cloned.1.call-start
scs
__scs_entry_jumppad:
0x0: {  	(pc) =	sbr.rel $0x88, $3  }
0x1: {  	(tag) =	ssettag $0x0;
	lr =	simm.s32 $0x1  }
0x2: {  	[smem:$0x3F9F] =	sst lr;
	_ =	strace $0xD0000000  }
0x3: {  	_ = 	snop  }
0x4: {  	_ = 	snop  }
0x5: {  	_ = 	snop  }
0x6: {  	_ = 	snop  }
0x7: {  	_ = 	snop  }
__scs_overlays_trampoline_lowered:
0x8: {  	[smem:$0x3FAE] =	sst s0  }
0x9: {  	[smem:$0x3FAF] =	sst s1  }
0xa: {  	[smem:$0x3FB0] =	sst s2  }
0xb: {  	[smem:$0x3FB1] =	sst s3  }
0xc: {  	[smem:$0x3FB2] =	sst s4  }
0xd: {  	[smem:$0x3FB3] =	sst s5  }
0xe: {  	[smem:$0x3FB4] =	sst s6  }
0xf: {  	[smem:$0x3FB5] =	sst s7  }
0x10: {  	[smem:$0x3FB6] =	sst s8  }
0x11: {  	[smem:$0x3FB7] =	sst s9;
	s0 =	simm.s32 @!p0 $0x0  }
0x12: {  	s1 =	sld [smem:$0x3F9D];
	s0 =	simm.s32 @p0 $0x1  }
0x13: {  	[smem:$0x3FB8] =	sst s0;
	s0 =	simm.s32 @!p1 $0x0  }
0x14: {  	s2 =	sld [smem:$0x3F9C];
	s0 =	simm.s32 @p1 $0x1  }
0x15: {  	[smem:$0x3FB9] =	sst s0;
	s0 =	simm.s32 @!p2 $0x0  }
0x16: {  	s3 =	sld [smem:$0x3FDB];
	s0 =	simm.s32 @p2 $0x1  }
0x17: {  	s4 =	simm.s32 $0x1BF5;
	[smem:$0x3FBB] =	sst s0  }
0x18: {  	s0 =	sld [smem:$0x3F9E];
	_ =	swait.ge [sflag:s4], $0x0  }
0x19: {  	s7 =	sld [smem:$0x3F9F]  }
0x1a: {  	s8 =	sadd.s32 $0xFFFFE003, lr  }
0x1b: {  	s9 =	sadd.s32 $0xFFFFFEF7, lr;
	s5 =	simm.s32 $0xFFFFFFFF;
	p2 =	slt.u32 s8, $0xFFFFF086  }
0x1c: {  	p1 =	slt.u32 s9, $0xF7A;
	s5 =	simm.s32 @!p2 $0x0  }
0x1d: {  	s5 =	simm.s32 @p1 $0x1;
	p0 =	seq.s32 s7, s2  }
0x1e: {  	s7 =	smul.u32 @!p0 $0xF7A, s2;
	p2 =	seq.s32 @!p0 s5, $0x0  }
0x1f: {  	s9 =	smul.u32 $0xF7A, s1;
	s8 =	simm.s32 @!p0 $0x1BF5;
	p2 =	por !p2, p0  }
0x20: {  	[sflag:s8] =	ssyncset.s32 @!p0 $0xFFFFF086;
	s6 =	sadd.s32 @!p0 s3, s7;
	s7 =	simm.s32 @!p0 $0x108  }
0x21: {  	s3 =	sadd.s32 s3, s9;
	s6 =	sadd.s32 @!p0 $0x88, s6;
	s7 =	simm.s32 @p2 $0x1082  }
0x22: {  	[simem:s7], [sflag:s8] =	dma.local @!p0 [hbm:s6], $0xF7A  }
0x23: {  	s9 =	sor.u32 $0xD0000000, s2;
	s6 =	simm.s32 $0x108;
	_ =	swait.ge @!p0 [sflag:s8], $0x0  }
0x24: {  	s3 =	sadd.s32 $0x88, s3;
	s6 =	simm.s32 @!p1 $0x1082;
	[sflag:s4] =	ssyncset.s32 $0xFFFFF086  }
0x25: {  	[simem:s6], [sflag:s4] =	dma.local [hbm:s3], $0xF7A  }
0x26: {  	[smem:$0x3F9F] =	sst s1;
	(tag) =	ssettag s2;
	_ =	strace s9  }
0x27: {  	s1 =	sld [smem:$0x3FAF]  }
0x28: {  	s2 =	sld [smem:$0x3FB0]  }
0x29: {  	s4 =	sld [smem:$0x3FB2]  }
0x2a: {  	p0 =	seq.s32 s5, $0x0;
	s5 =	sld [smem:$0x3FB3]  }
0x2b: {  	s6 =	sld [smem:$0x3FB4]  }
0x2c: {  	s7 =	sld [smem:$0x3FB5]  }
0x2d: {  	s3 =	simm.s32 $0x108;
	s8 =	sld [smem:$0x3FB6]  }
0x2e: {  	s3 =	simm.s32 @!p0 $0x1082;
	s9 =	sld [smem:$0x3FB7]  }
0x2f: {  	lr =	sadd.s32 s0, s3;
	s0 =	sld [smem:$0x3FAE]  }
0x30: {  	s3 =	sld [smem:$0x3FB1]  }
0x31: {  	[smem:$0x3FBA] =	sst s10  }
0x32: {  	s10 =	sld [smem:$0x3FB8];
	_ =	sdelay $0x3  }
0x33: {  	p0 =	seq.s32 s10, $0x1;
	s10 =	sld [smem:$0x3FBA];
	_ =	sdelay $0x3  }
0x34: {  	[smem:$0x3FBA] =	sst s10  }
0x35: {  	s10 =	sld [smem:$0x3FB9];
	_ =	sdelay $0x3  }
0x36: {  	p1 =	seq.s32 s10, $0x1;
	s10 =	sld [smem:$0x3FBA];
	_ =	sdelay $0x3  }
0x37: {  	[smem:$0x3FBA] =	sst s10  }
0x38: {  	s10 =	sld [smem:$0x3FBB]  }
0x39: {  	_ = 	snop;
	(pc) =	sbr.ind lr, $3  }
0x3a: {  	_ = 	snop  }
0x3b: {  	_ = 	snop  }
0x3c: {  	p2 =	seq.s32 s10, $0x1;
	s10 =	sld [smem:$0x3FBA]  }
0x3d: {  	_ =	shalt  }
0x3e: {  	_ =	shalt  }
0x3f: {  	_ =	shalt  }
0x40: {  	_ =	shalt  }
0x41: {  	_ =	shalt  }
0x42: {  	_ =	shalt  }
0x43: {  	_ =	shalt  }
0x44: {  	_ =	shalt  }
0x45: {  	_ =	shalt  }
0x46: {  	_ =	shalt  }
0x47: {  	_ =	shalt  }
0x48: {  	_ =	shalt  }
0x49: {  	_ =	shalt  }
0x4a: {  	_ =	shalt  }
0x4b: {  	_ =	shalt  }
0x4c: {  	_ =	shalt  }
0x4d: {  	_ =	shalt  }
0x4e: {  	_ =	shalt  }
0x4f: {  	_ =	shalt  }
0x50: {  	_ =	shalt  }
0x51: {  	_ =	shalt  }
0x52: {  	_ =	shalt  }
0x53: {  	_ =	shalt  }
0x54: {  	_ =	shalt  }
0x55: {  	_ =	shalt  }
0x56: {  	_ =	shalt  }
0x57: {  	_ =	shalt  }
0x58: {  	_ =	shalt  }
0x59: {  	_ =	shalt  }
0x5a: {  	_ =	shalt  }
0x5b: {  	_ =	shalt  }
0x5c: {  	_ =	shalt  }
0x5d: {  	_ =	shalt  }
0x5e: {  	_ =	shalt  }
0x5f: {  	_ =	shalt  }
0x60: {  	_ =	shalt  }
0x61: {  	_ =	shalt  }
0x62: {  	_ =	shalt  }
0x63: {  	_ =	shalt  }
0x64: {  	_ =	shalt  }
0x65: {  	_ =	shalt  }
0x66: {  	_ =	shalt  }
0x67: {  	_ =	shalt  }
0x68: {  	_ =	shalt  }
0x69: {  	_ =	shalt  }
0x6a: {  	_ =	shalt  }
0x6b: {  	_ =	shalt  }
0x6c: {  	_ =	shalt  }
0x6d: {  	_ =	shalt  }
0x6e: {  	_ =	shalt  }
0x6f: {  	_ =	shalt  }
0x70: {  	_ =	shalt  }
0x71: {  	_ =	shalt  }
0x72: {  	_ =	shalt  }
0x73: {  	_ =	shalt  }
0x74: {  	_ =	shalt  }
0x75: {  	_ =	shalt  }
0x76: {  	_ =	shalt  }
0x77: {  	_ =	shalt  }
0x78: {  	_ =	shalt  }
0x79: {  	_ =	shalt  }
0x7a: {  	_ =	shalt  }
0x7b: {  	_ =	shalt  }
0x7c: {  	_ =	shalt  }
0x7d: {  	_ =	shalt  }
0x7e: {  	_ =	shalt  }
0x7f: {  	_ =	shalt  }
0x80: {  	_ =	shalt  }
0x81: {  	_ =	shalt  }
0x82: {  	_ =	shalt  }
0x83: {  	_ =	shalt  }
0x84: {  	_ =	shalt  }
0x85: {  	_ =	shalt  }
0x86: {  	_ =	shalt  }
0x87: {  	_ =	shalt  }
.Lfunc_end0:
.L_simem_size_0:
called_computation_lowered:
.L_overlay_start_0:
0x88: {  	s2 =	sld [smem:$0x3FD9]  }
0x89: {  	s3 =	sld [smem:$0x3FFE];
	_ =	sdelay $0x1  }
0x8a: {  	s1 =	srdreg.scid  }
0x8b: {  	s0 =	sand.u32 $0x1, s1  }
0x8c: {  	s14 =	sshll.u32 s0, $0xA;
	s2 =	sadd.s32 s3, s2  }
0x8d: {  	s2 =	sadd.s32 s2, s14  }
0x8e: {  	[smem:$0x3FC6] =	sst s2  }
0x8f: {  	_ = 	snop  }
0x90: {  	s2 =	sld [smem:$0x3FD0];
	_ =	sdelay $0x2  }
0x91: {  	s15 =	simm.s32 $0xA;
	s4 =	simm.s32 $0x10  }
0x92: {  	[smem:s4], [sflag:s15] =	dma.local [hbm:s2], $0x1  }
0x93: {  	_ =	swait.eq [sflag:s15], $0x1  }
0x94: {  	[sflag:s15] =	ssyncset.done $0x0  }
0x95: {  	[sflag:s15] =	ssyncadd.s32 $0xFFFFFFFF  }
0x96: {  	s16 =	sld [smem:$0x11];
	(tm) =	ssettm $0x1  }
0x97: {  	s17 =	sld [smem:$0x3FFB];
	_ =	sdelay $0x3  }
0x98: {  	_ =	strace s17  }
0x99: {  	s3 =	sld [smem:$0x3FFC];
	_ =	sdelay $0x3  }
0x9a: {  	_ =	strace s3  }
0x9b: {  	s3 =	sld [smem:$0x3FFD];
	_ =	sdelay $0x3  }
0x9c: {  	_ =	strace s3  }
0x9d: {  	_ =	strace $0x8FFFFFFF  }
0x9e: {  	s18 =	sld [smem:$0x3FDB];
	_ =	sdelay $0x1  }
0x9f: {  	s19 =	simm.s32 $_scs_section_size  }
0xa0: {  	s5 =	simm.s32 $_size__tile_overlayer_lowered;
	s6 =	simm.s32 $_tile_overlayer_lowered  }
0xa1: {  	s22 =	simm.s32 $0x1BFF;
	s21 =	sshll.u32 s6, $0x1;
	s3 =	sadd.s32 s19, s18  }
0xa2: {  	s7 =	simm.s32 $0x0;
	s20 =	sshll.u32 s5, $0x1;
	s5 =	sadd.s32 s21, s3  }
0xa3: {  	[timem:s7], [sflag:s22] =	dma.local [hbm:s5], s20  }
0xa4: {  	_ =	swait.ge [sflag:s22], s20  }
0xa5: {  	s4 =	ssub.s32 $0x0, s20;
	[sflag:s22] =	ssyncset.done $0x0  }
0xa6: {  	[sflag:s22] =	ssyncadd.s32 s4;
	_ =	sdelay $0x1  }
0xa7: {  	s23 =	simm.s32 $0x1B8B  }
0xa8: {  	_ =	swait.ge [sflag:s23], $0x1  }
0xa9: {  	[sflag:s23] =	ssyncset.done $0x0  }
0xaa: {  	s25 =	simm.s32 $0x1B8E;
	s24 =	sld [smem:$0x3FFE];
	[sflag:s23] =	ssyncadd.s32 $0xFFFFFFFF  }
0xab: {  	s26 =	simm.s32 $execute0_lowered;
	[smem:$0x3FD2] =	sst s25  }
0xac: {  	s5 =	sshll.u32 s26, $0x1;
	_ =	strace $0x80000046;
	[dreg:$0x1] =	wrdreg $0xFFFFFFFF  }
0xad: {  	s28 =	simm.s32 $_size_execute0_lowered;
	s3 =	sadd.s32 s3, s5;
	[dreg:$0x0] =	wrdreg $0x0  }
0xae: {  	s5 =	sshll.u32 s28, $0x1;
	[dreg:$0x2] =	wrdreg s3  }
0xaf: {  	[dreg:$0x3] =	wrdreg s5  }
0xb0: {  	[dreg:$0x4] =	wrdreg $0xC0  }
0xb1: {  	_ =	task [dreg:s7], $0x5FFFF  }
0xb2: {  	[dreg:$0x1] =	wrdreg $0xFFFFFFFF  }
0xb3: {  	[dreg:$0x0] =	wrdreg $0x60  }
0xb4: {  	[dreg:$0x2] =	wrdreg s24  }
0xb5: {  	[dreg:$0x3] =	wrdreg s16  }
0xb6: {  	[dreg:$0x4] =	wrdreg $0x9  }
0xb7: {  	_ =	task.clear_ibuf [dreg:s7], $0x5FFFF;
	_ =	strace $0x90000046  }
0xb8: {  	s29 =	simm.s32 $0x9;
	_ =	strace $0x80000048  }
0xb9: {  	_ =	swait.ge [sflag:s29], $0x1  }
0xba: {  	[sflag:s29] =	ssyncadd.s32 $0xFFFFFFFF  }
0xbb: {  	_ =	strace $0x90000048  }
0xbc: {  	_ =	sfence  }
0xbd: {  	s30 =	sld [smem:$0x0];
	_ =	sdelay $0x2  }
0xbe: {  	s31 =	sshll.u32 s1, $0xD;
	s1 =	sshrl.u32 s1, $0x2  }
0xbf: {  	s3 =	sand.u32 $0x4000, s31;
	s1 =	sadd.s32 s1, s30  }
0xc0: {  	s0 =	sor.u32 s3, s0;
	s1 =	sshll.u32 s1, $0x11  }
0xc1: {  	s0 =	sor.u32 s1, s0  }
0xc2: {  	s0 =	sadd.s32 $0x8F2B, s0  }
0xc3: {  	[sflag:s0] =	ssyncadd.remote.s32 $0x1  }
0xc4: {  	_ =	sfence.sel $0xFFFF  }
0xc5: {  	[dreg:$0x0] =	wrdreg $0xFFFFFFFF;
	(pc) =	sbr.abs _section_cstart, $3  }
0xc6: {  	[dreg:$0x1] =	wrdreg $0xFFFFFFFF  }
0xc7: {  	_ =	task.clear_ibuf [dreg:s7], $0x2FFFF;
	_ =	strace $0x9FFFFFFF  }
0xc8: {  	(tm) =	ssettm $0x7FFFFFFF  }
0xc9: {  	_ =	shalt  }
tec
execute0_lowered:
.L_overlay_start_1:
0x0: {  	(tag) =	ssettag $0x1  }
0x1: {  	s3 =	rddreg [dreg:$0x0]  }
0x2: {  	s5 =	rddreg [dreg:$0x1]  }
0x3: {  	s0 =	rddreg [dreg:$0x2];
	s4 =	srdreg.scid  }
0x4: {  	s1 =	stileid.u32;
	s2 =	simm.s32 $0x0;
	s10 =	simm.s32 $0x8000  }
0x5: {  	s11 =	simm.s32 $0x18000;
	s12 =	simm.s32 $0x10000;
	s13 =	simm.s32 $0x14000  }
0x6: {  	s4 =	sand.u32 $0x1, s4;
	s6 =	sshll.u32 s1, $0x1;
	[smem:$0x7FF] =	sst s2  }
0x7: {  	s14 =	simm.s32 $0x0;
	s6 =	sor.u32 s4, s6;
	_ =	strace $0x80000047  }
0x8: {  	s4 =	ssub.s32 $0x2, s4;
	s7 =	sshll.u32 s6, $0xC;
	s8 =	sshll.u32 s6, $0xB  }
0x9: {  	s9 =	sshrl.u32 s4, $0x1;
	s6 =	sshll.u32 s6, $0x4;
	s7 =	sadd.s32 s7, s3  }
0xa: {  	v0 =	vlaneseq.u32;
	s8 =	sadd.s32 s8, s3;
	s9 =	ssub.s32 s4, s9;
	s5 =	sadd.s32 s5, s6  }
0xb: {  	v0 =	vand.u32 $0x7, v0;
	s3 =	sadd.s32 $0x800, s7;
	s4 =	sadd.s32 $0x20800, s7;
	s6 =	sadd.s32 $0x40800, s8  }
0xc: {  	vm0 =	vmmov $0xff;
	v1 =	vor.u32 $0x8, v0;
	s7 =	sadd.s32 $0x50800, s8;
	s8 =	smax.u32 s9, $0x1;
	s9 =	simm.s32 $0x1  }
.LBB2_1:
0xd: {  	[tilespmem:s2], [sflag:$0x1] =	stream.linear.gather [hbm4b:s3+s2], $0x8000, $0x38;
	[tilespmem:$0x18080] =	vst v63  }
0xe: {  	_ =	swait.ge [sflag:s9], $0x8000  }
0xf: {  	[sflag:s9] =	ssyncset.done $0x0  }
0x10: {  	[sflag:s9] =	ssyncadd.s32 $0xFFFF8000  }
0x11: {  	[tilespmem:s10], [sflag:$0x1] =	stream.linear.gather [hbm4b:s4+s2], $0x8000, $0x38;
	[tilespmem:$0x18080] =	vst v63  }
0x12: {  	_ =	swait.ge [sflag:s9], $0x8000  }
0x13: {  	[sflag:s9] =	ssyncset.done $0x0  }
0x14: {  	[sflag:s9] =	ssyncadd.s32 $0xFFFF8000  }
0x15: {  	[tilespmem:s11], [sflag:$0x1] =	stream.linear.gather [hbm4b:s5+s2], $0x80, $0x38;
	[tilespmem:$0x18080] =	vst v63  }
0x16: {  	_ =	swait.ge [sflag:s9], $0x80  }
0x17: {  	[sflag:s9] =	ssyncset.done $0x0  }
0x18: {  	[sflag:s9] =	ssyncadd.s32 $0xFFFFFF80  }
0x19: {  	s17 =	simm.s32 $0x80;
	v2 =	vld [tilespmem:$0x18000]  }
0x1a: {  	v3 =	vimm.f32 $0.0e+00;
	s16 =	simm.s32 $0x8080;
	s18 =	simm.s32 $0x200;
	s15 =	simm.s32 $0x0;
	v4 =	vld [tilespmem:s17+$0xFFFFFF80]  }
.LBB2_2:
0x1b: {  	p0 =	sne.s32 s18, $0xFE00;
	v5 =	vld [tilespmem:s16+$0xFFFFFF80]  }
0x1c: {  	v6 =	vld [tilespmem:s16+$0x0];
	_ =	sdelay $0x2  }
0x1d: {  	v7 =	vld [tilespmem:s17+$0x0];
	v8 =	vadd.f32 v4, v3;
	_ =	sdelay $0x1  }
0x1e: {  	v9 =	vadd.f32 v8, v2;
	_ =	sdelay $0x1  }
0x1f: {  	v10 =	vadd.f32 v3, v2;
	vm1 =	vlt.f32 v9, $5.120000000e+02  }
0x20: {  	v9 =	vnsel vm1, $0x0, v7;
	v3 =	vadd.f32 v7, v8  }
0x21: {  	vm1 =	vlt.f32 v10, $5.120000000e+02;
	v6 =	vmul.f32 v9, v6;
	v7 =	vperm.xlane v9, v1  }
0x22: {  	v4 =	vnsel vm1, $0x0, v4  }
0x23: {  	v5 =	vmul.f32 v5, v4;
	v7 =	vadd.f32 v7, v9;
	v8 =	vperm.xlane v6, v1  }
0x24: {  	v9 =	vperm.xlane v4, v1  }
0x25: {  	v10 =	vperm.xlane v5, v1;
	v7 =	vperm.xlane v7, v0;
	v6 =	vadd.f32 v8, v6  }
0x26: {  	v4 =	vadd.f32 v9, v4  }
.Ltmp0:
0x27: {  	v5 =	vadd.f32 v10, v5;
	v6 =	vperm.xlane v6, v0;
	(pc) =	sbr.rel @p0 .LBB2_2-.Ltmp0, $4  }
0x28: {  	s19 =	sshra.s32 s15, $0x2;
	s15 =	smov.u32 s18;
	v4 =	vsel vm0, v4, v7  }
0x29: {  	[tilespmem:s19+$0x10000] =	vst v4;
	v4 =	vsel vm0, v5, v6  }
0x2a: {  	s17 =	sadd.s32 $0x100, s17;
	[tilespmem:s19+$0x14000] =	vst v4  }
0x2b: {  	s18 =	sadd.s32 $0x200, s18;
	s16 =	sadd.s32 $0x100, s16;
	v4 =	vld [tilespmem:s17+$0xFFFFFF80]  }
0x2c: {  	_ =	sdelay $0x3  }
0x2d: {  	v5 =	vld [tilespmem:s17+$0x0];
	v6 =	vadd.f32 v4, v3  }
0x2e: {  	v7 =	vld [tilespmem:s16+$0x0]  }
0x2f: {  	v6 =	vadd.f32 v6, v2  }
0x30: {  	v8 =	vld [tilespmem:s16+$0xFFFFFF80]  }
0x31: {  	v2 =	vadd.f32 v3, v2;
	vm1 =	vlt.f32 v6, $5.120000000e+02  }
0x32: {  	v3 =	vnsel vm1, $0x0, v5  }
0x33: {  	vm1 =	vlt.f32 v2, $5.120000000e+02;
	v2 =	vmul.f32 v3, v7  }
0x34: {  	v5 =	vperm.xlane v3, v1;
	v60 =	vnsel vm1, $0x0, v4  }
0x35: {  	v61 =	vmul.f32 v8, v60;
	v7 =	vperm.xlane v2, v1  }
0x36: {  	v62 =	vperm.xlane v60, v1;
	v3 =	vadd.f32 v5, v3  }
0x37: {  	v8 =	vperm.xlane v61, v1;
	v2 =	vadd.f32 v7, v2  }
0x38: {  	v4 =	vadd.f32 v62, v60;
	v3 =	vperm.xlane v3, v0  }
0x39: {  	v63 =	vadd.f32 v8, v61;
	v2 =	vperm.xlane v2, v0  }
0x3a: {  	s15 =	sshra.s32 s15, $0x2;
	v3 =	vsel vm0, v4, v3  }
0x3b: {  	[tilespmem:s15+$0x10000] =	vst v3;
	v2 =	vsel vm0, v63, v2  }
0x3c: {  	[tilespmem:s15+$0x14000] =	vst v2  }
0x3d: {  	[hbm4b:s6+s2] =	stream.linear.scatter [tilespmem:s12], [sflag:$0x1], $0x4000, $0x38;
	[tilespmem:$0x18080] =	vst v63  }
0x3e: {  	s14 =	sadd.s32 $0x1, s14;
	_ =	swait.ge [sflag:s9], $0x4000  }
0x3f: {  	p0 =	sne.s32 s14, s8;
	[sflag:s9] =	ssyncset.done $0x0  }
.Ltmp1:
0x40: {  	[sflag:s9] =	ssyncadd.s32 $0xFFFFC000;
	(pc) =	sbr.rel @p0 .LBB2_1-.Ltmp1, $4  }
0x41: {  	[hbm4b:s7+s2] =	stream.linear.scatter [tilespmem:s13], [sflag:$0x1], $0x4000, $0x38;
	[tilespmem:$0x18080] =	vst v63  }
0x42: {  	_ =	swait.ge [sflag:s9], $0x4000  }
0x43: {  	[sflag:s9] =	ssyncset.done $0x0  }
0x44: {  	[sflag:s9] =	ssyncadd.s32 $0xFFFFC000  }
0x45: {  	_ =	sfence.sel $0x180000  }
0x46: {  	[bflag:$0x0] =	sbarrier.arrive $0xFFFF  }
0x47: {  	p0 =	sne.s32 s1, $0x0;
	_ =	strace $0x90000047  }
0x48: {  	s0 =	sadd.s32 @!p0 $0x100000, s0;
	[bflag:$0x2] =	sbarrier.arrive $0xFFFF  }
0x49: {  	[sflag:s0] =	ssyncadd.tile.s32 @!p0 $0x1;
	_ =	shalt  }
.Lfunc_end2:
_tile_overlayer_lowered:
.L_overlay_start_2:
0x4a: {  	(tag) =	ssettag $0x2  }
0x4b: {  	s0 =	rddreg [dreg:$0x0];
	s2 =	stileid.u32  }
0x4c: {  	s1 =	rddreg [dreg:$0x1];
	p0 =	sne.s32 s2, $0x0  }
0x4d: {  	s3 =	rddreg [dreg:$0x2];
	[bflag:$0x3] =	sbarrier.arrive $0xFFFF;
	s2 =	simm.s32 @!p0 $0x1C01  }
0x4e: {  	[timem:s3], [sflag:s2] =	dma.local @!p0 [hbm:s0], s1  }
0x4f: {  	s0 =	simm.s32 @!p0 $0x1  }
0x50: {  	_ =	swait.ge @!p0 [sflag:s0], s1  }
0x51: {  	s1 =	ssub.s32 @!p0 $0x0, s1;
	[sflag:s0] =	ssyncset.done @!p0 $0x0  }
0x52: {  	[sflag:s0] =	ssyncadd.s32 @!p0 s1  }
0x53: {  	[bflag:$0x3] =	sbarrier.arrive $0xFFFF  }
0x54: {  	_ =	shalt  }

</sc_bundles>
